<compile_context>
chip_gen: v7x
topology: tpu7x:2x2x1
jax: 0.10.2.dev20260603
libtpu: 0.0.44.dev20260713+nightly
codegen_flags: <defaults>
</compile_context>

<pallas_src>
import functools

import jax
import jax.numpy as jnp
from jax import lax
from jax.experimental import pallas as pl
from jax.experimental.pallas import tpu as pltpu
from jax.experimental.pallas import tpu_sc as plsc

B = 16384
D = 64
NE = 1000000
NR = 1000
L = 16
NC = 2
NS = 16
NW = NC * NS
BPW = B // NW

BLK = 16384
NSTREAM = 2
STEP = NSTREAM * BLK
NSTEP = (NE + STEP - 1) // STEP


def _rowsum_body(*refs):
    et_refs, rt_ref = refs[:NSTREAM], refs[NSTREAM]
    esum_ref, rsum_ref = refs[NSTREAM + 1], refs[NSTREAM + 2]
    for q in range(NSTREAM):
        esum_ref[pl.ds(q * BLK, BLK)] = jnp.sum(et_refs[q][...], axis=0)

    @pl.when(pl.program_id(0) == 0)
    def _():
        rsum_ref[...] = jnp.sum(rt_ref[...], axis=0)


_rowsums = pl.pallas_call(
    _rowsum_body,
    grid=(NSTEP,),
    in_specs=[
        pl.BlockSpec((D, BLK), (lambda i, q=q: (0, NSTREAM * i + q)))
        for q in range(NSTREAM)
    ] + [
        pl.BlockSpec((D, NR), lambda i: (0, 0)),
    ],
    out_specs=[
        pl.BlockSpec((STEP,), lambda i: (i,)),
        pl.BlockSpec((NR,), lambda i: (0,)),
    ],
    out_shape=[
        jax.ShapeDtypeStruct((NE,), jnp.float32),
        jax.ShapeDtypeStruct((NR,), jnp.float32),
    ],
)


def _build_score():
    mesh = plsc.VectorSubcoreMesh(core_axis_name="c", subcore_axis_name="s")

    cp = pltpu.CompilerParams(
        needs_layout_passes=False,
        use_tc_tiling_on_sc=False,
    )

    @functools.partial(
        pl.kernel,
        mesh=mesh,
        compiler_params=cp,
        out_type=jax.ShapeDtypeStruct((B,), jnp.float32),
        scratch_types=[
            pltpu.VMEM((BPW,), jnp.int32),
            pltpu.VMEM((BPW,), jnp.int32),
            pltpu.VMEM((BPW,), jnp.int32),
            pltpu.VMEM((BPW,), jnp.float32),
            pltpu.VMEM((BPW,), jnp.float32),
            pltpu.VMEM((NR,), jnp.float32),
            pltpu.VMEM((BPW,), jnp.float32),
            pltpu.SemaphoreType.DMA,
        ],
    )
    def score(subj_hbm, rel_hbm, obj_hbm, esum_hbm, rsum_hbm, out_hbm,
              si_v, ri_v, oi_v, es_v, eo_v, rs_v, res_v, sem):
        wid = lax.axis_index("s") * NC + lax.axis_index("c")
        base = wid * BPW

        pltpu.sync_copy(subj_hbm.at[pl.ds(base, BPW)], si_v)
        pltpu.sync_copy(obj_hbm.at[pl.ds(base, BPW)], oi_v)
        pltpu.sync_copy(rel_hbm.at[pl.ds(base, BPW)], ri_v)
        cs = pltpu.async_copy(esum_hbm.at[si_v], es_v, sem)
        co = pltpu.async_copy(esum_hbm.at[oi_v], eo_v, sem)
        cr = pltpu.async_copy(rsum_hbm, rs_v, sem)
        cs.wait()
        co.wait()
        cr.wait()

        @pl.loop(0, BPW // L)
        def _(c):
            sl = pl.ds(c * L, L)
            rel_idx = ri_v[sl]
            r = plsc.load_gather(rs_v, [rel_idx])
            res_v[sl] = es_v[sl] + r - eo_v[sl]

        pltpu.sync_copy(res_v, out_hbm.at[pl.ds(base, BPW)])

    return score


_score = _build_score()


@jax.jit
def kernel(subject, relation, object, embed_entities, embed_relations):
    et = embed_entities.T
    esum, rsum = _rowsums(*([et] * NSTREAM), embed_relations.T)
    out = _score(
        subject.astype(jnp.int32),
        relation.astype(jnp.int32),
        object.astype(jnp.int32),
        esum,
        rsum,
    )
    return out.reshape(-1, 1)

# --- scband reference (transcript-rebuilt; emitter-appended) ---
"""Pipeline reference for scband-trans-e-25615184954057 (READ-ONLY COPY).

The authoritative reference and input builder live on the scoring server;
editing this copy changes nothing except your own understanding.
"""

import jax, jax.numpy as jnp
import numpy as np

NUM_ENTITIES = 1000000
NUM_RELATIONS = 1000
DIM = 64
BATCH = 16384

def _init_table(key, n, d):
    r = 6.0 / np.sqrt(d)
    w = jax.random.uniform(key, (n, d), dtype=jnp.float32, minval=-r, maxval=r)
    # renorm_(p=2, dim=0, maxnorm=1): rescale rows whose L2 norm exceeds 1
    norms = jnp.linalg.norm(w, axis=1, keepdims=True)
    scale = jnp.where(norms > 1.0, 1.0 / norms, 1.0)
    return w * scale

def setup_inputs(seed: int = 0) -> dict:
    key = jax.random.key(seed)
    k1, k2, k3, k4, k5 = jax.random.split(key, 5)
    subject = jax.random.randint(k1, (BATCH,), 0, NUM_ENTITIES, dtype=jnp.int64)
    relation = jax.random.randint(k2, (BATCH,), 0, NUM_RELATIONS, dtype=jnp.int64)
    object_ = jax.random.randint(k3, (BATCH,), 0, NUM_ENTITIES, dtype=jnp.int64)
    embed_entities = _init_table(k4, NUM_ENTITIES, DIM)
    embed_relations = _init_table(k5, NUM_RELATIONS, DIM)
    return {
        "subject": subject,
        "relation": relation,
        "object": object_,
        "embed_entities": embed_entities,
        "embed_relations": embed_relations,
    }

def reference(subject, relation, object, embed_entities, embed_relations):
    s = jnp.take(embed_entities, subject, axis=0)
    r = jnp.take(embed_relations, relation, axis=0)
    o = jnp.take(embed_entities, object, axis=0)
    score = jnp.sum(s + r - o, axis=-1)
    return score.reshape(-1, 1)

if __name__ == "__main__":
    import jax
    _d = setup_inputs()
    print(jax.jit(kernel)(*tuple(_d.values())))

</pallas_src>

<mosaic_0001>
#map = affine_map<(d0, d1) -> (0)>
module attributes {stable_mosaic.version = 14 : i64} {
  func.func @score(%arg0: i32, %arg1: i32, %arg2: memref<16384xi32, #tpu.memory_space<hbm>>, %arg3: memref<16384xi32, #tpu.memory_space<hbm>>, %arg4: memref<16384xi32, #tpu.memory_space<hbm>>, %arg5: memref<1000000xf32, #tpu.memory_space<hbm>>, %arg6: memref<1000xf32, #tpu.memory_space<hbm>>, %arg7: memref<16384xf32, #tpu.memory_space<hbm>>, %arg8: memref<512xi32, #tpu.memory_space<vmem>>, %arg9: memref<512xi32, #tpu.memory_space<vmem>>, %arg10: memref<512xi32, #tpu.memory_space<vmem>>, %arg11: memref<512xf32, #tpu.memory_space<vmem>>, %arg12: memref<512xf32, #tpu.memory_space<vmem>>, %arg13: memref<1000xf32, #tpu.memory_space<vmem>>, %arg14: memref<512xf32, #tpu.memory_space<vmem>>, %arg15: memref<!tpu.dma_semaphore, #tpu.memory_space<semaphore_mem>>) attributes {dimension_semantics = [#tpu.dimension_semantics<core_parallel>, #tpu.dimension_semantics<subcore_parallel>], iteration_bounds = array<i64: 2, 16>, scalar_prefetch = 0 : i64, scratch_operands = 8 : i64, tpu.core_type = #tpu.core_type<sc_vector_subcore>, window_params = [{transform_indices = #map}, {transform_indices = #map}, {transform_indices = #map}, {transform_indices = #map}, {transform_indices = #map}, {transform_indices = #map}]} {
    %mul3A = arith.constant 2 : i32
    %mul3A_0 = arith.muli %arg1, %mul3A : i32
    %add3A = arith.addi %mul3A_0, %arg0 : i32
    %mul3A_1 = arith.constant 512 : i32
    %mul3A_2 = arith.muli %add3A, %mul3A_1 : i32
    "tpu.region"() ({
      %run_scoped3A = tpu.sem_alloc : memref<!tpu.dma_semaphore, #tpu.memory_space<semaphore_mem>>
      %dma_start3A_13 = tpu.memref_slice %arg2[%mul3A_2] : memref<16384xi32, #tpu.memory_space<hbm>> -> memref<512xi32, #tpu.memory_space<hbm>>
      %dma_start3A_14 = tpu.memref_slice %arg2[%mul3A_2] : memref<16384xi32, #tpu.memory_space<hbm>> -> memref<512xi32, #tpu.memory_space<hbm>>
      tpu.enqueue_dma source(%dma_start3A_14 : memref<512xi32, #tpu.memory_space<hbm>>) target(%arg8 : memref<512xi32, #tpu.memory_space<vmem>>) target_semaphore(%run_scoped3A : memref<!tpu.dma_semaphore, #tpu.memory_space<semaphore_mem>>)
      %dma_wait3A_15 = tpu.memref_slice %arg2[%mul3A_2] : memref<16384xi32, #tpu.memory_space<hbm>> -> memref<512xi32, #tpu.memory_space<hbm>>
      %dma_wait3A_16 = tpu.memref_slice %arg2[%mul3A_2] : memref<16384xi32, #tpu.memory_space<hbm>> -> memref<512xi32, #tpu.memory_space<hbm>>
      tpu.wait_dma2 semaphore(%run_scoped3A : memref<!tpu.dma_semaphore, #tpu.memory_space<semaphore_mem>>) src(%dma_wait3A_16 : memref<512xi32, #tpu.memory_space<hbm>>) dst(%arg8 : memref<512xi32, #tpu.memory_space<vmem>>)
      tpu.yield
    }) : () -> ()
    "tpu.region"() ({
      %run_scoped3A = tpu.sem_alloc : memref<!tpu.dma_semaphore, #tpu.memory_space<semaphore_mem>>
      %dma_start3A_13 = tpu.memref_slice %arg4[%mul3A_2] : memref<16384xi32, #tpu.memory_space<hbm>> -> memref<512xi32, #tpu.memory_space<hbm>>
      %dma_start3A_14 = tpu.memref_slice %arg4[%mul3A_2] : memref<16384xi32, #tpu.memory_space<hbm>> -> memref<512xi32, #tpu.memory_space<hbm>>
      tpu.enqueue_dma source(%dma_start3A_14 : memref<512xi32, #tpu.memory_space<hbm>>) target(%arg10 : memref<512xi32, #tpu.memory_space<vmem>>) target_semaphore(%run_scoped3A : memref<!tpu.dma_semaphore, #tpu.memory_space<semaphore_mem>>)
      %dma_wait3A_15 = tpu.memref_slice %arg4[%mul3A_2] : memref<16384xi32, #tpu.memory_space<hbm>> -> memref<512xi32, #tpu.memory_space<hbm>>
      %dma_wait3A_16 = tpu.memref_slice %arg4[%mul3A_2] : memref<16384xi32, #tpu.memory_space<hbm>> -> memref<512xi32, #tpu.memory_space<hbm>>
      tpu.wait_dma2 semaphore(%run_scoped3A : memref<!tpu.dma_semaphore, #tpu.memory_space<semaphore_mem>>) src(%dma_wait3A_16 : memref<512xi32, #tpu.memory_space<hbm>>) dst(%arg10 : memref<512xi32, #tpu.memory_space<vmem>>)
      tpu.yield
    }) : () -> ()
    "tpu.region"() ({
      %run_scoped3A = tpu.sem_alloc : memref<!tpu.dma_semaphore, #tpu.memory_space<semaphore_mem>>
      %dma_start3A_13 = tpu.memref_slice %arg3[%mul3A_2] : memref<16384xi32, #tpu.memory_space<hbm>> -> memref<512xi32, #tpu.memory_space<hbm>>
      %dma_start3A_14 = tpu.memref_slice %arg3[%mul3A_2] : memref<16384xi32, #tpu.memory_space<hbm>> -> memref<512xi32, #tpu.memory_space<hbm>>
      tpu.enqueue_dma source(%dma_start3A_14 : memref<512xi32, #tpu.memory_space<hbm>>) target(%arg9 : memref<512xi32, #tpu.memory_space<vmem>>) target_semaphore(%run_scoped3A : memref<!tpu.dma_semaphore, #tpu.memory_space<semaphore_mem>>)
      %dma_wait3A_15 = tpu.memref_slice %arg3[%mul3A_2] : memref<16384xi32, #tpu.memory_space<hbm>> -> memref<512xi32, #tpu.memory_space<hbm>>
      %dma_wait3A_16 = tpu.memref_slice %arg3[%mul3A_2] : memref<16384xi32, #tpu.memory_space<hbm>> -> memref<512xi32, #tpu.memory_space<hbm>>
      tpu.wait_dma2 semaphore(%run_scoped3A : memref<!tpu.dma_semaphore, #tpu.memory_space<semaphore_mem>>) src(%dma_wait3A_16 : memref<512xi32, #tpu.memory_space<hbm>>) dst(%arg9 : memref<512xi32, #tpu.memory_space<vmem>>)
      tpu.yield
    }) : () -> ()
    %dma_start3A = arith.constant 0 : i32
    %dma_start3A_3 = tpu.memref_slice %arg5[%dma_start3A] : memref<1000000xf32, #tpu.memory_space<hbm>> -> memref<1000000xf32, #tpu.memory_space<hbm>>
    tpu.enqueue_indirect_dma source(%dma_start3A_3 : memref<1000000xf32, #tpu.memory_space<hbm>>) target(%arg11 : memref<512xf32, #tpu.memory_space<vmem>>) offsets(%arg8 : memref<512xi32, #tpu.memory_space<vmem>>) semaphore(%arg15 : memref<!tpu.dma_semaphore, #tpu.memory_space<semaphore_mem>>)
    %dma_start3A_4 = arith.constant 0 : i32
    %dma_start3A_5 = tpu.memref_slice %arg5[%dma_start3A_4] : memref<1000000xf32, #tpu.memory_space<hbm>> -> memref<1000000xf32, #tpu.memory_space<hbm>>
    tpu.enqueue_indirect_dma source(%dma_start3A_5 : memref<1000000xf32, #tpu.memory_space<hbm>>) target(%arg12 : memref<512xf32, #tpu.memory_space<vmem>>) offsets(%arg10 : memref<512xi32, #tpu.memory_space<vmem>>) semaphore(%arg15 : memref<!tpu.dma_semaphore, #tpu.memory_space<semaphore_mem>>)
    tpu.enqueue_dma source(%arg6 : memref<1000xf32, #tpu.memory_space<hbm>>) target(%arg13 : memref<1000xf32, #tpu.memory_space<vmem>>) target_semaphore(%arg15 : memref<!tpu.dma_semaphore, #tpu.memory_space<semaphore_mem>>)
    %dma_wait3A = arith.constant 0 : i32
    %dma_wait3A_6 = tpu.memref_slice %arg5[%dma_wait3A] : memref<1000000xf32, #tpu.memory_space<hbm>> -> memref<1000000xf32, #tpu.memory_space<hbm>>
    tpu.wait_indirect_dma semaphore(%arg15 : memref<!tpu.dma_semaphore, #tpu.memory_space<semaphore_mem>>) src(%dma_wait3A_6 : memref<1000000xf32, #tpu.memory_space<hbm>>) dst(%arg11 : memref<512xf32, #tpu.memory_space<vmem>>)
    %dma_wait3A_7 = arith.constant 0 : i32
    %dma_wait3A_8 = tpu.memref_slice %arg5[%dma_wait3A_7] : memref<1000000xf32, #tpu.memory_space<hbm>> -> memref<1000000xf32, #tpu.memory_space<hbm>>
    tpu.wait_indirect_dma semaphore(%arg15 : memref<!tpu.dma_semaphore, #tpu.memory_space<semaphore_mem>>) src(%dma_wait3A_8 : memref<1000000xf32, #tpu.memory_space<hbm>>) dst(%arg12 : memref<512xf32, #tpu.memory_space<vmem>>)
    tpu.wait_dma2 semaphore(%arg15 : memref<!tpu.dma_semaphore, #tpu.memory_space<semaphore_mem>>) src(%arg6 : memref<1000xf32, #tpu.memory_space<hbm>>) dst(%arg13 : memref<1000xf32, #tpu.memory_space<vmem>>)
    %scan3A = arith.constant 0 : i32
    %scan3A_9 = arith.constant 32 : i32
    %scan3A_10 = arith.addi %scan3A, %scan3A_9 : i32
    %scan3A_11 = arith.constant 1 : i32
    scf.for %scan3A_13 = %scan3A to %scan3A_10 step %scan3A_11  : i32 {
      %mul3A_14 = arith.constant 1 : i32
      %mul3A_15 = arith.muli %scan3A_13, %mul3A_14 : i32
      %add3A_16 = arith.constant 0 : i32
      %add3A_17 = arith.addi %add3A_16, %mul3A_15 : i32
      %mul3A_18 = arith.constant 16 : i32
      %mul3A_19 = arith.muli %add3A_17, %mul3A_18 : i32
      %get3A = arith.index_cast %mul3A_19 : i32 to index
      %get3A_20 = tpu.vector_load %arg9[%get3A] {strides = array<i32>} : memref<512xi32, #tpu.memory_space<vmem>>, vector<16xi32>,
      %gather3A = tpu.vector_load_idx %arg13[%get3A_20] : memref<1000xf32, #tpu.memory_space<vmem>>[vector<16xi32>], vector<16xf32>,
      %get3A_21 = arith.index_cast %mul3A_19 : i32 to index
      %get3A_22 = tpu.vector_load %arg11[%get3A_21] {strides = array<i32>} : memref<512xf32, #tpu.memory_space<vmem>>, vector<16xf32>,
      %add3A_23 = arith.addf %get3A_22, %gather3A : vector<16xf32>
      %get3A_24 = arith.index_cast %mul3A_19 : i32 to index
      %get3A_25 = tpu.vector_load %arg12[%get3A_24] {strides = array<i32>} : memref<512xf32, #tpu.memory_space<vmem>>, vector<16xf32>,
      %sub3A = arith.subf %add3A_23, %get3A_25 : vector<16xf32>
      %swap3A = arith.index_cast %mul3A_19 : i32 to index
      %swap3A_26 = tpu.vector_load %arg14[%swap3A] {strides = array<i32>} : memref<512xf32, #tpu.memory_space<vmem>>, vector<16xf32>,
      tpu.vector_store %arg14[%swap3A], %sub3A {strides = array<i32>} : memref<512xf32, #tpu.memory_space<vmem>>, vector<16xf32>,
    }
    %scan3A_12 = arith.constant 32 : i32
    "tpu.region"() ({
      %run_scoped3A = tpu.sem_alloc : memref<!tpu.dma_semaphore, #tpu.memory_space<semaphore_mem>>
      %dma_start3A_13 = tpu.memref_slice %arg7[%mul3A_2] : memref<16384xf32, #tpu.memory_space<hbm>> -> memref<512xf32, #tpu.memory_space<hbm>>
      %dma_start3A_14 = tpu.memref_slice %arg7[%mul3A_2] : memref<16384xf32, #tpu.memory_space<hbm>> -> memref<512xf32, #tpu.memory_space<hbm>>
      tpu.enqueue_dma source(%arg14 : memref<512xf32, #tpu.memory_space<vmem>>) target(%dma_start3A_14 : memref<512xf32, #tpu.memory_space<hbm>>) target_semaphore(%run_scoped3A : memref<!tpu.dma_semaphore, #tpu.memory_space<semaphore_mem>>)
      %dma_wait3A_15 = tpu.memref_slice %arg7[%mul3A_2] : memref<16384xf32, #tpu.memory_space<hbm>> -> memref<512xf32, #tpu.memory_space<hbm>>
      %dma_wait3A_16 = tpu.memref_slice %arg7[%mul3A_2] : memref<16384xf32, #tpu.memory_space<hbm>> -> memref<512xf32, #tpu.memory_space<hbm>>
      tpu.wait_dma2 semaphore(%run_scoped3A : memref<!tpu.dma_semaphore, #tpu.memory_space<semaphore_mem>>) src(%arg14 : memref<512xf32, #tpu.memory_space<vmem>>) dst(%dma_wait3A_16 : memref<512xf32, #tpu.memory_space<hbm>>)
      tpu.yield
    }) : () -> ()
    return
  }
}

module attributes {stable_mosaic.version = 14 : i64} {
  func.func @_rowsum_body(%arg0: i32, %arg1: memref<64x16384xf32, #tpu.memory_space<vmem>>, %arg2: memref<64x16384xf32, #tpu.memory_space<vmem>>, %arg3: memref<64x1000xf32, #tpu.memory_space<vmem>>, %arg4: memref<32768xf32, #tpu.memory_space<vmem>>, %arg5: memref<1000xf32, #tpu.memory_space<vmem>>) attributes {dimension_semantics = [#tpu.dimension_semantics<arbitrary>], iteration_bounds = array<i64: 31>, scalar_prefetch = 0 : i64, scratch_operands = 0 : i64, tpu.core_type = #tpu.core_type<tc>, window_params = [{transform_indices = @transform_0, window_bounds = array<i64: 64, 16384>}, {transform_indices = @transform_1, window_bounds = array<i64: 64, 16384>}, {pipeline_mode = #tpu.pipeline_mode<synchronous>, transform_indices = @transform_2, window_bounds = array<i64: 64, 1000>}, {transform_indices = @transform_3, window_bounds = array<i64: 32768>}, {pipeline_mode = #tpu.pipeline_mode<synchronous>, transform_indices = @transform_4, window_bounds = array<i64: 1000>}]} {
    %get3A = arith.constant 0 : index
    %get3A_0 = arith.constant 0 : index
    %get3A_1 = vector.load %arg1[%get3A, %get3A_0] : memref<64x16384xf32, #tpu.memory_space<vmem>>, vector<64x16384xf32>
    %reduce_sum3A = arith.constant dense<0.000000e+00> : vector<16384xf32>
    %reduce_sum3A_2 = vector.multi_reduction <add>, %get3A_1, %reduce_sum3A [0] : vector<64x16384xf32> to vector<16384xf32>
    %swap3A = arith.constant 0 : index
    %swap3A_3 = vector.load %arg4[%swap3A] : memref<32768xf32, #tpu.memory_space<vmem>>, vector<16384xf32>
    tpu.vector_store %arg4[%swap3A], %reduce_sum3A_2 {strides = array<i32>} : memref<32768xf32, #tpu.memory_space<vmem>>, vector<16384xf32>,
    %get3A_4 = arith.constant 0 : index
    %get3A_5 = arith.constant 0 : index
    %get3A_6 = vector.load %arg2[%get3A_4, %get3A_5] : memref<64x16384xf32, #tpu.memory_space<vmem>>, vector<64x16384xf32>
    %reduce_sum3A_7 = arith.constant dense<0.000000e+00> : vector<16384xf32>
    %reduce_sum3A_8 = vector.multi_reduction <add>, %get3A_6, %reduce_sum3A_7 [0] : vector<64x16384xf32> to vector<16384xf32>
    %swap3A_9 = arith.constant 16384 : index
    %swap3A_10 = vector.load %arg4[%swap3A_9] : memref<32768xf32, #tpu.memory_space<vmem>>, vector<16384xf32>
    tpu.vector_store %arg4[%swap3A_9], %reduce_sum3A_8 {strides = array<i32>} : memref<32768xf32, #tpu.memory_space<vmem>>, vector<16384xf32>,
    %eq3A = arith.constant 0 : i32
    %eq3A_11 = arith.cmpi eq, %arg0, %eq3A : i32
    %convert_element_type3A = arith.extui %eq3A_11 : i1 to i32
    %cond3A = arith.constant 0 : i32
    %cond3A_12 = arith.cmpi ne, %convert_element_type3A, %cond3A : i32
    scf.if %cond3A_12 {
      %get3A_13 = arith.constant 0 : index
      %get3A_14 = arith.constant 0 : index
      %get3A_15 = vector.load %arg3[%get3A_13, %get3A_14] : memref<64x1000xf32, #tpu.memory_space<vmem>>, vector<64x1000xf32>
      %reduce_sum3A_16 = arith.constant dense<0.000000e+00> : vector<1000xf32>
      %reduce_sum3A_17 = vector.multi_reduction <add>, %get3A_15, %reduce_sum3A_16 [0] : vector<64x1000xf32> to vector<1000xf32>
      %swap3A_18 = arith.constant 0 : index
      %swap3A_19 = vector.load %arg5[%swap3A_18] : memref<1000xf32, #tpu.memory_space<vmem>>, vector<1000xf32>
      tpu.vector_store %arg5[%swap3A_18], %reduce_sum3A_17 {strides = array<i32>} : memref<1000xf32, #tpu.memory_space<vmem>>, vector<1000xf32>,
    } else {
    }
    return
  }
  func.func @transform_0(%arg0: i32) -> (i32, i32) {
    %mul3A = arith.constant 2 : i32
    %mul3A_0 = arith.muli %mul3A, %arg0 : i32
    %add3A = arith.constant 0 : i32
    %add3A_1 = arith.addi %mul3A_0, %add3A : i32
    %c0_i32 = arith.constant 0 : i32
    %c0_i32_2 = arith.constant 0 : i32
    return %c0_i32, %add3A_1 : i32, i32
  }
  func.func @transform_1(%arg0: i32) -> (i32, i32) {
    %mul3A = arith.constant 2 : i32
    %mul3A_0 = arith.muli %mul3A, %arg0 : i32
    %add3A = arith.constant 1 : i32
    %add3A_1 = arith.addi %mul3A_0, %add3A : i32
    %c0_i32 = arith.constant 0 : i32
    %c0_i32_2 = arith.constant 0 : i32
    return %c0_i32, %add3A_1 : i32, i32
  }
  func.func @transform_2(%arg0: i32) -> (i32, i32) {
    %c0_i32 = arith.constant 0 : i32
    %c0_i32_0 = arith.constant 0 : i32
    %c0_i32_1 = arith.constant 0 : i32
    return %c0_i32, %c0_i32_0 : i32, i32
  }
  func.func @transform_3(%arg0: i32) -> i32 {
    %c0_i32 = arith.constant 0 : i32
    return %arg0 : i32
  }
  func.func @transform_4(%arg0: i32) -> i32 {
    %c0_i32 = arith.constant 0 : i32
    %c0_i32_0 = arith.constant 0 : i32
    return %c0_i32 : i32
  }
}

</mosaic_0001>

<sc_bundles>
// kernel: kernel.4.cloned.1.call-start
scs
__scs_entry_jumppad:
0x0: {  	(pc) =	sbr.rel $0x88, $3  }
0x1: {  	(tag) =	ssettag $0x0;
	lr =	simm.s32 $0x1  }
0x2: {  	[smem:$0x3F9C] =	sst lr;
	_ =	strace $0xD0000000  }
0x3: {  	_ = 	snop  }
0x4: {  	_ = 	snop  }
0x5: {  	_ = 	snop  }
0x6: {  	_ = 	snop  }
0x7: {  	_ = 	snop  }
__scs_overlays_trampoline_lowered:
0x8: {  	[smem:$0x3FAB] =	sst s0  }
0x9: {  	[smem:$0x3FAC] =	sst s1  }
0xa: {  	[smem:$0x3FAD] =	sst s2  }
0xb: {  	[smem:$0x3FAE] =	sst s3  }
0xc: {  	[smem:$0x3FAF] =	sst s4  }
0xd: {  	[smem:$0x3FB0] =	sst s5  }
0xe: {  	[smem:$0x3FB1] =	sst s6  }
0xf: {  	[smem:$0x3FB2] =	sst s7  }
0x10: {  	[smem:$0x3FB3] =	sst s8  }
0x11: {  	[smem:$0x3FB4] =	sst s9;
	s0 =	simm.s32 @!p0 $0x0  }
0x12: {  	s1 =	sld [smem:$0x3F9A];
	s0 =	simm.s32 @p0 $0x1  }
0x13: {  	[smem:$0x3FB5] =	sst s0;
	s0 =	simm.s32 @!p1 $0x0  }
0x14: {  	s2 =	sld [smem:$0x3F99];
	s0 =	simm.s32 @p1 $0x1  }
0x15: {  	[smem:$0x3FB6] =	sst s0;
	s0 =	simm.s32 @!p2 $0x0  }
0x16: {  	s3 =	sld [smem:$0x3FDB];
	s0 =	simm.s32 @p2 $0x1  }
0x17: {  	s4 =	simm.s32 $0x1BF5;
	[smem:$0x3FB8] =	sst s0  }
0x18: {  	s0 =	sld [smem:$0x3F9B];
	_ =	swait.ge [sflag:s4], $0x0  }
0x19: {  	s7 =	sld [smem:$0x3F9C]  }
0x1a: {  	s8 =	sadd.s32 $0xFFFFE003, lr  }
0x1b: {  	s9 =	sadd.s32 $0xFFFFFEF7, lr;
	s5 =	simm.s32 $0xFFFFFFFF;
	p2 =	slt.u32 s8, $0xFFFFF086  }
0x1c: {  	p1 =	slt.u32 s9, $0xF7A;
	s5 =	simm.s32 @!p2 $0x0  }
0x1d: {  	s5 =	simm.s32 @p1 $0x1;
	p0 =	seq.s32 s7, s2  }
0x1e: {  	s7 =	smul.u32 @!p0 $0xF7A, s2;
	p2 =	seq.s32 @!p0 s5, $0x0  }
0x1f: {  	s9 =	smul.u32 $0xF7A, s1;
	s8 =	simm.s32 @!p0 $0x1BF5;
	p2 =	por !p2, p0  }
0x20: {  	[sflag:s8] =	ssyncset.s32 @!p0 $0xFFFFF086;
	s6 =	sadd.s32 @!p0 s3, s7;
	s7 =	simm.s32 @!p0 $0x108  }
0x21: {  	s3 =	sadd.s32 s3, s9;
	s6 =	sadd.s32 @!p0 $0x88, s6;
	s7 =	simm.s32 @p2 $0x1082  }
0x22: {  	[simem:s7], [sflag:s8] =	dma.local @!p0 [hbm:s6], $0xF7A  }
0x23: {  	s9 =	sor.u32 $0xD0000000, s2;
	s6 =	simm.s32 $0x108;
	_ =	swait.ge @!p0 [sflag:s8], $0x0  }
0x24: {  	s3 =	sadd.s32 $0x88, s3;
	s6 =	simm.s32 @!p1 $0x1082;
	[sflag:s4] =	ssyncset.s32 $0xFFFFF086  }
0x25: {  	[simem:s6], [sflag:s4] =	dma.local [hbm:s3], $0xF7A  }
0x26: {  	[smem:$0x3F9C] =	sst s1;
	(tag) =	ssettag s2;
	_ =	strace s9  }
0x27: {  	s1 =	sld [smem:$0x3FAC]  }
0x28: {  	s2 =	sld [smem:$0x3FAD]  }
0x29: {  	s4 =	sld [smem:$0x3FAF]  }
0x2a: {  	p0 =	seq.s32 s5, $0x0;
	s5 =	sld [smem:$0x3FB0]  }
0x2b: {  	s6 =	sld [smem:$0x3FB1]  }
0x2c: {  	s7 =	sld [smem:$0x3FB2]  }
0x2d: {  	s3 =	simm.s32 $0x108;
	s8 =	sld [smem:$0x3FB3]  }
0x2e: {  	s3 =	simm.s32 @!p0 $0x1082;
	s9 =	sld [smem:$0x3FB4]  }
0x2f: {  	lr =	sadd.s32 s0, s3;
	s0 =	sld [smem:$0x3FAB]  }
0x30: {  	s3 =	sld [smem:$0x3FAE]  }
0x31: {  	[smem:$0x3FB7] =	sst s10  }
0x32: {  	s10 =	sld [smem:$0x3FB5];
	_ =	sdelay $0x3  }
0x33: {  	p0 =	seq.s32 s10, $0x1;
	s10 =	sld [smem:$0x3FB7];
	_ =	sdelay $0x3  }
0x34: {  	[smem:$0x3FB7] =	sst s10  }
0x35: {  	s10 =	sld [smem:$0x3FB6];
	_ =	sdelay $0x3  }
0x36: {  	p1 =	seq.s32 s10, $0x1;
	s10 =	sld [smem:$0x3FB7];
	_ =	sdelay $0x3  }
0x37: {  	[smem:$0x3FB7] =	sst s10  }
0x38: {  	s10 =	sld [smem:$0x3FB8]  }
0x39: {  	_ = 	snop;
	(pc) =	sbr.ind lr, $3  }
0x3a: {  	_ = 	snop  }
0x3b: {  	_ = 	snop  }
0x3c: {  	p2 =	seq.s32 s10, $0x1;
	s10 =	sld [smem:$0x3FB7]  }
0x3d: {  	_ =	shalt  }
0x3e: {  	_ =	shalt  }
0x3f: {  	_ =	shalt  }
0x40: {  	_ =	shalt  }
0x41: {  	_ =	shalt  }
0x42: {  	_ =	shalt  }
0x43: {  	_ =	shalt  }
0x44: {  	_ =	shalt  }
0x45: {  	_ =	shalt  }
0x46: {  	_ =	shalt  }
0x47: {  	_ =	shalt  }
0x48: {  	_ =	shalt  }
0x49: {  	_ =	shalt  }
0x4a: {  	_ =	shalt  }
0x4b: {  	_ =	shalt  }
0x4c: {  	_ =	shalt  }
0x4d: {  	_ =	shalt  }
0x4e: {  	_ =	shalt  }
0x4f: {  	_ =	shalt  }
0x50: {  	_ =	shalt  }
0x51: {  	_ =	shalt  }
0x52: {  	_ =	shalt  }
0x53: {  	_ =	shalt  }
0x54: {  	_ =	shalt  }
0x55: {  	_ =	shalt  }
0x56: {  	_ =	shalt  }
0x57: {  	_ =	shalt  }
0x58: {  	_ =	shalt  }
0x59: {  	_ =	shalt  }
0x5a: {  	_ =	shalt  }
0x5b: {  	_ =	shalt  }
0x5c: {  	_ =	shalt  }
0x5d: {  	_ =	shalt  }
0x5e: {  	_ =	shalt  }
0x5f: {  	_ =	shalt  }
0x60: {  	_ =	shalt  }
0x61: {  	_ =	shalt  }
0x62: {  	_ =	shalt  }
0x63: {  	_ =	shalt  }
0x64: {  	_ =	shalt  }
0x65: {  	_ =	shalt  }
0x66: {  	_ =	shalt  }
0x67: {  	_ =	shalt  }
0x68: {  	_ =	shalt  }
0x69: {  	_ =	shalt  }
0x6a: {  	_ =	shalt  }
0x6b: {  	_ =	shalt  }
0x6c: {  	_ =	shalt  }
0x6d: {  	_ =	shalt  }
0x6e: {  	_ =	shalt  }
0x6f: {  	_ =	shalt  }
0x70: {  	_ =	shalt  }
0x71: {  	_ =	shalt  }
0x72: {  	_ =	shalt  }
0x73: {  	_ =	shalt  }
0x74: {  	_ =	shalt  }
0x75: {  	_ =	shalt  }
0x76: {  	_ =	shalt  }
0x77: {  	_ =	shalt  }
0x78: {  	_ =	shalt  }
0x79: {  	_ =	shalt  }
0x7a: {  	_ =	shalt  }
0x7b: {  	_ =	shalt  }
0x7c: {  	_ =	shalt  }
0x7d: {  	_ =	shalt  }
0x7e: {  	_ =	shalt  }
0x7f: {  	_ =	shalt  }
0x80: {  	_ =	shalt  }
0x81: {  	_ =	shalt  }
0x82: {  	_ =	shalt  }
0x83: {  	_ =	shalt  }
0x84: {  	_ =	shalt  }
0x85: {  	_ =	shalt  }
0x86: {  	_ =	shalt  }
0x87: {  	_ =	shalt  }
.Lfunc_end0:
.L_simem_size_0:
called_computation_lowered:
.L_overlay_start_0:
0x88: {  	s2 =	sld [smem:$0x3FD9]  }
0x89: {  	s3 =	sld [smem:$0x3FFE];
	_ =	sdelay $0x1  }
0x8a: {  	s1 =	srdreg.scid  }
0x8b: {  	s0 =	sand.u32 $0x1, s1  }
0x8c: {  	s17 =	sshll.u32 s0, $0xA;
	s2 =	sadd.s32 s3, s2  }
0x8d: {  	s2 =	sadd.s32 s2, s17  }
0x8e: {  	[smem:$0x3FC3] =	sst s2  }
0x8f: {  	_ = 	snop  }
0x90: {  	s2 =	sld [smem:$0x3FC9]  }
0x91: {  	s18 =	sld [smem:$0x3FC8]  }
0x92: {  	s4 =	sld [smem:$0x3FC7]  }
0x93: {  	s5 =	sld [smem:$0x3FD0];
	(tm) =	ssettm $0x1  }
0x94: {  	s6 =	sld [smem:$0x3FFB];
	_ =	sdelay $0x3  }
0x95: {  	_ =	strace s6  }
0x96: {  	s6 =	sld [smem:$0x3FFC];
	_ =	sdelay $0x3  }
0x97: {  	_ =	strace s6  }
0x98: {  	s6 =	sld [smem:$0x3FFD];
	_ =	sdelay $0x3  }
0x99: {  	_ =	strace s6  }
0x9a: {  	_ =	strace $0x8FFFFFFF  }
0x9b: {  	s19 =	sld [smem:$0x3FDB];
	_ =	sdelay $0x1  }
0x9c: {  	s7 =	simm.s32 $_scs_section_size  }
0x9d: {  	s8 =	simm.s32 $_size__tile_overlayer_lowered;
	s9 =	simm.s32 $_tile_overlayer_lowered  }
0x9e: {  	s22 =	simm.s32 $0x1BFF;
	s21 =	sshll.u32 s9, $0x1;
	s6 =	sadd.s32 s7, s19  }
0x9f: {  	s10 =	simm.s32 $0x0;
	s20 =	sshll.u32 s8, $0x1;
	s8 =	sadd.s32 s21, s6  }
0xa0: {  	[timem:s10], [sflag:s22] =	dma.local [hbm:s8], s20  }
0xa1: {  	_ =	swait.ge [sflag:s22], s20  }
0xa2: {  	s7 =	ssub.s32 $0x0, s20;
	[sflag:s22] =	ssyncset.done $0x0  }
0xa3: {  	[sflag:s22] =	ssyncadd.s32 s7;
	_ =	sdelay $0x1  }
0xa4: {  	s23 =	simm.s32 $0x1B8B  }
0xa5: {  	_ =	swait.ge [sflag:s23], $0x1  }
0xa6: {  	[sflag:s23] =	ssyncset.done $0x0  }
0xa7: {  	s25 =	simm.s32 $0x1B8E;
	s24 =	sld [smem:$0x3FFE];
	[sflag:s23] =	ssyncadd.s32 $0xFFFFFFFF  }
0xa8: {  	s26 =	simm.s32 $execute0_lowered;
	[smem:$0x3FD2] =	sst s25  }
0xa9: {  	s8 =	sshll.u32 s26, $0x1;
	_ =	strace $0x80000046;
	[dreg:$0x1] =	wrdreg $0xFFFFFFFF  }
0xaa: {  	s28 =	simm.s32 $_size_execute0_lowered;
	s6 =	sadd.s32 s6, s8;
	[dreg:$0x0] =	wrdreg $0x0  }
0xab: {  	s8 =	sshll.u32 s28, $0x1;
	[dreg:$0x2] =	wrdreg s6  }
0xac: {  	[dreg:$0x3] =	wrdreg s8  }
0xad: {  	[dreg:$0x4] =	wrdreg $0xC0  }
0xae: {  	_ =	task [dreg:s10], $0x5FFFF  }
0xaf: {  	[dreg:$0x1] =	wrdreg $0xFFFFFFFF  }
0xb0: {  	[dreg:$0x0] =	wrdreg $0x60  }
0xb1: {  	[dreg:$0x2] =	wrdreg s2  }
0xb2: {  	[dreg:$0x3] =	wrdreg s18  }
0xb3: {  	[dreg:$0x4] =	wrdreg s4  }
0xb4: {  	[dreg:$0x5] =	wrdreg s24  }
0xb5: {  	[dreg:$0x6] =	wrdreg s5  }
0xb6: {  	[dreg:$0x7] =	wrdreg $0x9  }
0xb7: {  	_ =	task.clear_ibuf [dreg:s10], $0x8FFFF;
	_ =	strace $0x90000046  }
0xb8: {  	s29 =	simm.s32 $0x9;
	_ =	strace $0x80000048  }
0xb9: {  	_ =	swait.ge [sflag:s29], $0x1  }
0xba: {  	[sflag:s29] =	ssyncadd.s32 $0xFFFFFFFF  }
0xbb: {  	_ =	strace $0x90000048  }
0xbc: {  	_ =	sfence  }
0xbd: {  	s30 =	sld [smem:$0x0];
	_ =	sdelay $0x2  }
0xbe: {  	s31 =	sshll.u32 s1, $0xD;
	s1 =	sshrl.u32 s1, $0x2  }
0xbf: {  	s3 =	sand.u32 $0x4000, s31;
	s1 =	sadd.s32 s1, s30  }
0xc0: {  	s0 =	sor.u32 s3, s0;
	s1 =	sshll.u32 s1, $0x11  }
0xc1: {  	s0 =	sor.u32 s1, s0  }
0xc2: {  	s0 =	sadd.s32 $0x8F2B, s0  }
0xc3: {  	[sflag:s0] =	ssyncadd.remote.s32 $0x1  }
0xc4: {  	_ =	sfence.sel $0xFFFF  }
0xc5: {  	[dreg:$0x0] =	wrdreg $0xFFFFFFFF;
	(pc) =	sbr.abs _section_cstart, $3  }
0xc6: {  	[dreg:$0x1] =	wrdreg $0xFFFFFFFF  }
0xc7: {  	_ =	task.clear_ibuf [dreg:s10], $0x2FFFF;
	_ =	strace $0x9FFFFFFF  }
0xc8: {  	(tm) =	ssettm $0x7FFFFFFF  }
0xc9: {  	_ =	shalt  }
tec
execute0_lowered:
.L_overlay_start_1:
0x0: {  	(tag) =	ssettag $0x1  }
0x1: {  	s5 =	rddreg [dreg:$0x0]  }
0x2: {  	s7 =	rddreg [dreg:$0x1]  }
0x3: {  	s6 =	rddreg [dreg:$0x2]  }
0x4: {  	s4 =	rddreg [dreg:$0x3]  }
0x5: {  	s8 =	rddreg [dreg:$0x4]  }
0x6: {  	s0 =	rddreg [dreg:$0x5];
	s1 =	simm.s32 $0x0  }
0x7: {  	s9 =	srdreg.scid;
	s2 =	stileid.u32;
	s13 =	simm.s32 $0x600  }
0x8: {  	s14 =	simm.s32 $0x800;
	s15 =	simm.s32 $0xA00;
	s16 =	simm.s32 $0x1  }
0x9: {  	s17 =	simm.s32 $0xDE8;
	s18 =	simm.s32 $0x0;
	[smem:$0x7FF] =	sst s1  }
0xa: {  	s3 =	sadd.s32 $0xC00, s4;
	s9 =	sand.u32 $0x1, s9;
	s11 =	sshll.u32 s2, $0x7  }
0xb: {  	s4 =	sadd.s32 $0x1F600, s4;
	s10 =	ssub.s32 $0x2, s9;
	s9 =	sshll.u32 s9, $0x6  }
0xc: {  	_ =	strace $0x80000047;
	s12 =	sshrl.u32 s10, $0x1;
	s9 =	sor.u32 s9, s11  }
0xd: {  	s11 =	simm.s32 $0x400;
	s10 =	ssub.s32 s10, s12;
	s5 =	sadd.s32 s5, s9  }
0xe: {  	s6 =	sadd.s32 s6, s9;
	s7 =	sadd.s32 s7, s9;
	s8 =	sadd.s32 s8, s9  }
0xf: {  	s12 =	simm.s32 $0x200;
	s9 =	smax.u32 s10, $0x1;
	s10 =	simm.s32 $0x2  }
.LBB2_1:
0x10: {  	[tilespmem:s1], [sflag:$0x2] =	stream.linear.gather [hbm4b:s5+s1], $0x200, $0x38;
	[tilespmem:$0xFE8] =	vst v63  }
0x11: {  	_ =	swait.ge [sflag:s10], $0x200  }
0x12: {  	[sflag:s10] =	ssyncset.done $0x0  }
0x13: {  	[sflag:s10] =	ssyncadd.s32 $0xFFFFFE00  }
0x14: {  	[tilespmem:s11], [sflag:$0x2] =	stream.linear.gather [hbm4b:s6+s1], $0x200, $0x38;
	[tilespmem:$0xFE8] =	vst v63  }
0x15: {  	_ =	swait.ge [sflag:s10], $0x200  }
0x16: {  	[sflag:s10] =	ssyncset.done $0x0  }
0x17: {  	[sflag:s10] =	ssyncadd.s32 $0xFFFFFE00  }
0x18: {  	[tilespmem:s12], [sflag:$0x2] =	stream.linear.gather [hbm4b:s7+s1], $0x200, $0x38;
	[tilespmem:$0xFE8] =	vst v63  }
0x19: {  	_ =	swait.ge [sflag:s10], $0x200  }
0x1a: {  	[sflag:s10] =	ssyncset.done $0x0  }
0x1b: {  	[sflag:s10] =	ssyncadd.s32 $0xFFFFFE00  }
0x1c: {  	[tilespmem:s13], [sflag:$0x1] =	stream.indirect.gather [hbm4b:s3+s12], $0x1, s1, s12, $0xb8;
	[tilespmem:$0xFE8] =	vst v63  }
0x1d: {  	_ = 	snop  }
0x1e: {  	[tilespmem:s14], [sflag:$0x1] =	stream.indirect.gather [hbm4b:s3+s12], $0x1, s11, s12, $0xb8;
	[tilespmem:$0xFE8] =	vst v63  }
0x1f: {  	_ = 	snop  }
0x20: {  	[tilespmem:s15], [sflag:$0x1] =	stream.linear.gather [hbm4b:s4+s1], $0x3E8, $0x38;
	[tilespmem:$0xFE8] =	vst v63  }
0x21: {  	_ =	swait.ge [sflag:s16], $0x200  }
0x22: {  	[sflag:s16] =	ssyncset.done $0x0  }
0x23: {  	[sflag:s16] =	ssyncadd.s32 $0xFFFFFE00  }
0x24: {  	_ =	swait.ge [sflag:s16], $0x200  }
0x25: {  	[sflag:s16] =	ssyncset.done $0x0  }
0x26: {  	[sflag:s16] =	ssyncadd.s32 $0xFFFFFE00  }
0x27: {  	_ =	swait.ge [sflag:s16], $0x3E8  }
0x28: {  	[sflag:s16] =	ssyncset.done $0x0  }
0x29: {  	s19 =	simm.s32 $0x0;
	[sflag:s16] =	ssyncadd.s32 $0xFFFFFC18  }
0x2a: {  	v0 =	vld [tilespmem:s19+$0x200];
	_ =	sdelay $0x6  }
0x2b: {  	v1 =	vld [tilespmem:s19+$0x600]  }
0x2c: {  	v0 =	vld.idx.msk [tilespmem:v0+s15+$0x0], $0xffff  }
0x2d: {  	s20 =	simm.s32 $0x10;
	s21 =	simm.s32 $0x80;
	v2 =	vld [tilespmem:s19+$0x800]  }
.LBB2_2:
0x2e: {  	p0 =	sne.s32 s21, $0x7C0;
	v3 =	vld [tilespmem:s20+$0x200];
	_ =	sdelay $0x2  }
0x2f: {  	v0 =	vadd.f32 v1, v0;
	_ =	sdelay $0x1  }
0x30: {  	v0 =	vsub.f32 v0, v2  }
.Ltmp0:
0x31: {  	(pc) =	sbr.rel @p0 .LBB2_2-.Ltmp0, $4  }
0x32: {  	[tilespmem:s19+$0xDE8] =	vst v0;
	s19 =	smov.u32 s20  }
0x33: {  	v0 =	vld.idx.msk [tilespmem:v3+s15+$0x0], $0xffff  }
0x34: {  	v1 =	vld [tilespmem:s19+$0x600]  }
0x35: {  	s20 =	sshra.s32 s21, $0x2;
	s21 =	sadd.s32 $0x40, s21;
	v2 =	vld [tilespmem:s19+$0x800]  }
0x36: {  	v3 =	vld [tilespmem:s20+$0x200];
	_ =	sdelay $0x2  }
0x37: {  	v0 =	vadd.f32 v1, v0;
	_ =	sdelay $0x1  }
0x38: {  	v0 =	vsub.f32 v0, v2;
	_ =	sdelay $0x1  }
0x39: {  	[tilespmem:s19+$0xDE8] =	vst v0  }
0x3a: {  	v0 =	vld.idx.msk [tilespmem:v3+s15+$0x0], $0xffff  }
0x3b: {  	v62 =	vld [tilespmem:s20+$0x600];
	_ =	sdelay $0x1  }
0x3c: {  	v63 =	vld [tilespmem:s20+$0x800];
	_ =	sdelay $0x2  }
0x3d: {  	v0 =	vadd.f32 v62, v0;
	_ =	sdelay $0x1  }
0x3e: {  	s18 =	sadd.s32 $0x1, s18;
	v0 =	vsub.f32 v0, v63  }
0x3f: {  	p0 =	sne.s32 s18, s9  }
.Ltmp1:
0x40: {  	[tilespmem:s20+$0xDE8] =	vst v0;
	(pc) =	sbr.rel @p0 .LBB2_1-.Ltmp1, $4  }
0x41: {  	[hbm4b:s8+s1] =	stream.linear.scatter [tilespmem:s17], [sflag:$0x2], $0x200, $0x38;
	[tilespmem:$0xFE8] =	vst v63  }
0x42: {  	_ =	swait.ge [sflag:s10], $0x200  }
0x43: {  	[sflag:s10] =	ssyncset.done $0x0  }
0x44: {  	[sflag:s10] =	ssyncadd.s32 $0xFFFFFE00  }
0x45: {  	_ =	sfence.sel $0x180000  }
0x46: {  	[bflag:$0x0] =	sbarrier.arrive $0xFFFF  }
0x47: {  	p0 =	sne.s32 s2, $0x0;
	_ =	strace $0x90000047  }
0x48: {  	s0 =	sadd.s32 @!p0 $0x100000, s0;
	[bflag:$0x2] =	sbarrier.arrive $0xFFFF  }
0x49: {  	[sflag:s0] =	ssyncadd.tile.s32 @!p0 $0x1;
	_ =	shalt  }
.Lfunc_end2:
_tile_overlayer_lowered:
.L_overlay_start_2:
0x4a: {  	(tag) =	ssettag $0x2  }
0x4b: {  	s0 =	rddreg [dreg:$0x0];
	s2 =	stileid.u32  }
0x4c: {  	s1 =	rddreg [dreg:$0x1];
	p0 =	sne.s32 s2, $0x0  }
0x4d: {  	s3 =	rddreg [dreg:$0x2];
	[bflag:$0x3] =	sbarrier.arrive $0xFFFF;
	s2 =	simm.s32 @!p0 $0x1C02  }
0x4e: {  	[timem:s3], [sflag:s2] =	dma.local @!p0 [hbm:s0], s1  }
0x4f: {  	s0 =	simm.s32 @!p0 $0x2  }
0x50: {  	_ =	swait.ge @!p0 [sflag:s0], s1  }
0x51: {  	s1 =	ssub.s32 @!p0 $0x0, s1;
	[sflag:s0] =	ssyncset.done @!p0 $0x0  }
0x52: {  	[sflag:s0] =	ssyncadd.s32 @!p0 s1  }
0x53: {  	[bflag:$0x3] =	sbarrier.arrive $0xFFFF  }
0x54: {  	_ =	shalt  }

</sc_bundles>
